<compile_context>
chip_gen: v7x
topology: tpu7x:2x2x1
jax: 0.10.2.dev20260603
libtpu: 0.0.44.dev20260713+nightly
codegen_flags: <defaults>
</compile_context>

<pallas_src>
import functools

import jax
import jax.numpy as jnp
from jax import lax
from jax.experimental import pallas as pl
from jax.experimental.pallas import tpu as pltpu
from jax.experimental.pallas import tpu_sc as plsc

B = 32
N_OBJ = 16
D = 32
N_NEURAL = 50000
N_ATOMS = 100000

TBLK = 16384
NJ = (N_ATOMS + TBLK - 1) // TBLK
NEURAL_HI = N_NEURAL + 2
NBLK_NEURAL = (NEURAL_HI + TBLK - 1) // TBLK
NBINS = NJ * TBLK

N_BASE = 5000
PER_SUB = 160
CHUNK = 80
TAIL = N_BASE - 31 * PER_SUB
ZSPAN = NBINS // 16


def _hist_body(idx_hbm, out_hbm, idx_a, idx_b, idx_c, ones_v,
               buf_v, hist_sh):
    cid = lax.axis_index("c")
    sid = lax.axis_index("s")
    wid = cid * 16 + sid

    for i in range(CHUNK // 16):
        ones_v[pl.ds(i * 16, 16)] = jnp.full((16,), 1.0, jnp.float32)

    def _zero(i, carry):
        buf_v[pl.ds(i * 16, 16)] = jnp.zeros((16,), jnp.float32)
        return carry

    lax.fori_loop(0, ZSPAN // 16, _zero, 0)

    zbase = sid * ZSPAN
    pltpu.sync_copy(buf_v, hist_sh.at[pl.ds(zbase, ZSPAN)])
    plsc.subcore_barrier()

    base = wid * PER_SUB

    @pl.when(wid < 31)
    def _():
        pltpu.sync_copy(idx_hbm.at[pl.ds(base, CHUNK)], idx_a)
        pltpu.sync_copy(idx_hbm.at[pl.ds(base + CHUNK, CHUNK)], idx_b)
        pltpu.sync_copy(ones_v, hist_sh.at[idx_a], add=True)
        pltpu.sync_copy(ones_v, hist_sh.at[idx_b], add=True)

    @pl.when(wid == 31)
    def _():
        pltpu.sync_copy(idx_hbm.at[pl.ds(31 * PER_SUB, TAIL)], idx_c)
        pltpu.sync_copy(ones_v.at[pl.ds(0, TAIL)], hist_sh.at[idx_c], add=True)

    plsc.subcore_barrier()

    pltpu.sync_copy(hist_sh.at[pl.ds(zbase, ZSPAN)],
                    out_hbm.at[cid, pl.ds(zbase, ZSPAN)])


@functools.cache
def _get_hist_kernel():
    return pl.kernel(
        _hist_body,
        out_type=jax.ShapeDtypeStruct((2, NBINS), jnp.float32),
        mesh=plsc.VectorSubcoreMesh(core_axis_name="c", subcore_axis_name="s"),
        scratch_types=[
            pltpu.VMEM((CHUNK,), jnp.int32),
            pltpu.VMEM((CHUNK,), jnp.int32),
            pltpu.VMEM((TAIL,), jnp.int32),
            pltpu.VMEM((CHUNK,), jnp.float32),
            pltpu.VMEM((ZSPAN,), jnp.float32),
            pltpu.VMEM_SHARED((NBINS,), jnp.float32),
        ],
    )


def _tc_body(zf_ref, w_ref, obj_ref, cnt_ref, out_ref, carry_ref):
    j = pl.program_id(0)
    csum = cnt_ref[0:1, :] + cnt_ref[1:2, :]
    col = j * TBLK + lax.broadcasted_iota(jnp.int32, (1, TBLK), 1)

    @pl.when(j < NBLK_NEURAL)
    def _():
        wtb = w_ref[...]
        objr = obj_ref[...]
        objb = jnp.broadcast_to(objr, (B, TBLK))
        parts = [jnp.where(objb == jnp.bfloat16(o), wtb, jnp.bfloat16(0.0))
                 for o in range(N_OBJ)]
        u = jnp.concatenate(parts, axis=0)
        acc = jnp.dot(zf_ref[...], u, preferred_element_type=jnp.float32)
        vals = jax.nn.sigmoid(acc)
        prev = carry_ref[...]
        carry_ref[...] = vals[:, TBLK - 128:]
        sh = pltpu.roll(vals, 2, 1)
        rc = pltpu.roll(prev, 2, 1)
        head = jnp.where(lax.broadcasted_iota(jnp.int32, (1, 128), 1) < 2,
                         rc, sh[:, :128])
        vfull = jnp.concatenate([head, sh[:, 128:]], axis=1)
        neural = (col >= 2) & (col < NEURAL_HI)
        out = jnp.where(neural, vfull, 0.0) + csum
        out_ref[...] = jnp.where(col == 1, 1.0, out)

    @pl.when(j >= NBLK_NEURAL)
    def _():
        out_ref[...] = jnp.broadcast_to(csum, (B, TBLK))


def kernel(Z, atom_idx, obj_idx, w, base_idx):
    del atom_idx
    zflat = Z.reshape(B, N_OBJ * D).astype(jnp.bfloat16)
    wt = w.astype(jnp.bfloat16).T
    obj2 = obj_idx.astype(jnp.bfloat16).reshape(1, N_NEURAL)

    counts = _get_hist_kernel()(base_idx)

    return pl.pallas_call(
        _tc_body,
        grid=(NJ,),
        in_specs=[
            pl.BlockSpec((B, N_OBJ * D), lambda j: (0, 0)),
            pl.BlockSpec((B, TBLK), lambda j: (0, jnp.minimum(j, NBLK_NEURAL - 1))),
            pl.BlockSpec((1, TBLK), lambda j: (0, jnp.minimum(j, NBLK_NEURAL - 1))),
            pl.BlockSpec((2, TBLK), lambda j: (0, j)),
        ],
        out_specs=pl.BlockSpec((B, TBLK), lambda j: (0, j)),
        out_shape=jax.ShapeDtypeStruct((B, N_ATOMS), jnp.float32),
        scratch_shapes=[pltpu.VMEM((B, 128), jnp.float32)],
    )(zflat, wt, obj2, counts)

# --- scband reference (transcript-rebuilt; emitter-appended) ---
"""Pipeline reference for scband-facts-converter-5617817224001 (READ-ONLY COPY).

The authoritative reference and input builder live on the scoring server;
editing this copy changes nothing except your own understanding.
"""

import jax, jax.numpy as jnp
import numpy as np

N_ATOMS = 100000
N_NEURAL = 50000
N_BASE = 5000
B = 32
N_OBJ = 16
D = 32


def setup_inputs(seed: int = 0) -> dict:
    key = jax.random.key(seed)
    k1, k2, k3, k4 = jax.random.split(key, 4)
    Z = jax.random.normal(k1, (B, N_OBJ, D), dtype=jnp.float32)
    # atom indices of neural-predicate atoms within grounded atom list G (distinct, like enumerate(G))
    atom_idx = jnp.arange(N_NEURAL, dtype=jnp.int32)
    # each neural atom evaluates one object slot from the perception output Z
    obj_idx = jax.random.randint(k2, (N_NEURAL,), 0, N_OBJ, dtype=jnp.int32)
    # valuation-module parameters: per-atom scoring vector (simplified vm.batch_forward)
    w = jax.random.normal(k3, (N_NEURAL, D), dtype=jnp.float32) * 0.1
    # indices of atoms present in background knowledge B (V[:, i] += 1.0)
    base_idx = jax.random.randint(k4, (N_BASE,), 0, N_ATOMS, dtype=jnp.int32)
    return {"Z": Z, "atom_idx": atom_idx, "obj_idx": obj_idx, "w": w, "base_idx": base_idx}


def reference(Z, atom_idx, obj_idx, w, base_idx):
    batch_size = Z.shape[0]
    # skip indices 0 and 1 (reserved atoms: false/true), as in `if ... and i > 1`
    idx = atom_idx + 2
    # vm.batch_forward: gather referenced object features, score with per-atom weights
    zg = jnp.take(Z, obj_idx, axis=1)                      # [B, N_NEURAL, D] gather
    vals = jax.nn.sigmoid(jnp.sum(zg * w[None, :, :], -1))  # [B, N_NEURAL]
    # V = zeros; V[:, indices] = vals  (scatter-overwrite per predicate group)
    V = jnp.zeros((batch_size, N_ATOMS), dtype=jnp.float32)
    V = V.at[:, idx].set(vals)
    # background facts: V[:, i] += 1.0 for atoms in B
    V = V.at[:, base_idx].add(1.0)
    # V[:, 1] = 1.0 (the 'true' atom)
    V = V.at[:, 1].set(1.0)
    return V

if __name__ == "__main__":
    import jax
    _d = setup_inputs()
    print(jax.jit(kernel)(*tuple(_d.values())))

</pallas_src>

<mosaic_0001>
#map = affine_map<(d0, d1) -> (0)>
#map1 = affine_map<(d0, d1) -> (0, 0)>
module attributes {stable_mosaic.version = 14 : i64} {
  func.func @_hist_body(%arg0: i32, %arg1: i32, %arg2: memref<5000xi32, #tpu.memory_space<hbm>>, %arg3: memref<2x114688xf32, #tpu.memory_space<hbm>>, %arg4: memref<80xi32, #tpu.memory_space<vmem>>, %arg5: memref<80xi32, #tpu.memory_space<vmem>>, %arg6: memref<40xi32, #tpu.memory_space<vmem>>, %arg7: memref<80xf32, #tpu.memory_space<vmem>>, %arg8: memref<7168xf32, #tpu.memory_space<vmem>>, %arg9: memref<114688xf32, #tpu.memory_space<vmem_shared>>) attributes {dimension_semantics = [#tpu.dimension_semantics<core_parallel>, #tpu.dimension_semantics<subcore_parallel>], iteration_bounds = array<i64: 2, 16>, scalar_prefetch = 0 : i64, scratch_operands = 6 : i64, tpu.core_type = #tpu.core_type<sc_vector_subcore>, window_params = [{transform_indices = #map}, {transform_indices = #map1}]} {
    %mul3A = arith.constant 16 : i32
    %mul3A_0 = arith.muli %arg0, %mul3A : i32
    %add3A = arith.addi %mul3A_0, %arg1 : i32
    %broadcast_in_dim3A = arith.constant 1.000000e+00 : f32
    %broadcast_in_dim3A_1 = vector.broadcast %broadcast_in_dim3A : f32 to vector<16xf32>
    %swap3A = arith.constant 0 : index
    %swap3A_2 = tpu.vector_load %arg7[%swap3A] {strides = array<i32>} : memref<80xf32, #tpu.memory_space<vmem>>, vector<16xf32>,
    %swap3A_3 = vector.shape_cast %swap3A_2 : vector<16xf32> to vector<16xf32>
    %swap3A_4 = vector.shape_cast %broadcast_in_dim3A_1 : vector<16xf32> to vector<16xf32>
    tpu.vector_store %arg7[%swap3A], %swap3A_4 {strides = array<i32>} : memref<80xf32, #tpu.memory_space<vmem>>, vector<16xf32>,
    %broadcast_in_dim3A_5 = arith.constant 1.000000e+00 : f32
    %broadcast_in_dim3A_6 = vector.broadcast %broadcast_in_dim3A_5 : f32 to vector<16xf32>
    %swap3A_7 = arith.constant 16 : index
    %swap3A_8 = tpu.vector_load %arg7[%swap3A_7] {strides = array<i32>} : memref<80xf32, #tpu.memory_space<vmem>>, vector<16xf32>,
    %swap3A_9 = vector.shape_cast %swap3A_8 : vector<16xf32> to vector<16xf32>
    %swap3A_10 = vector.shape_cast %broadcast_in_dim3A_6 : vector<16xf32> to vector<16xf32>
    tpu.vector_store %arg7[%swap3A_7], %swap3A_10 {strides = array<i32>} : memref<80xf32, #tpu.memory_space<vmem>>, vector<16xf32>,
    %broadcast_in_dim3A_11 = arith.constant 1.000000e+00 : f32
    %broadcast_in_dim3A_12 = vector.broadcast %broadcast_in_dim3A_11 : f32 to vector<16xf32>
    %swap3A_13 = arith.constant 32 : index
    %swap3A_14 = tpu.vector_load %arg7[%swap3A_13] {strides = array<i32>} : memref<80xf32, #tpu.memory_space<vmem>>, vector<16xf32>,
    %swap3A_15 = vector.shape_cast %swap3A_14 : vector<16xf32> to vector<16xf32>
    %swap3A_16 = vector.shape_cast %broadcast_in_dim3A_12 : vector<16xf32> to vector<16xf32>
    tpu.vector_store %arg7[%swap3A_13], %swap3A_16 {strides = array<i32>} : memref<80xf32, #tpu.memory_space<vmem>>, vector<16xf32>,
    %broadcast_in_dim3A_17 = arith.constant 1.000000e+00 : f32
    %broadcast_in_dim3A_18 = vector.broadcast %broadcast_in_dim3A_17 : f32 to vector<16xf32>
    %swap3A_19 = arith.constant 48 : index
    %swap3A_20 = tpu.vector_load %arg7[%swap3A_19] {strides = array<i32>} : memref<80xf32, #tpu.memory_space<vmem>>, vector<16xf32>,
    %swap3A_21 = vector.shape_cast %swap3A_20 : vector<16xf32> to vector<16xf32>
    %swap3A_22 = vector.shape_cast %broadcast_in_dim3A_18 : vector<16xf32> to vector<16xf32>
    tpu.vector_store %arg7[%swap3A_19], %swap3A_22 {strides = array<i32>} : memref<80xf32, #tpu.memory_space<vmem>>, vector<16xf32>,
    %broadcast_in_dim3A_23 = arith.constant 1.000000e+00 : f32
    %broadcast_in_dim3A_24 = vector.broadcast %broadcast_in_dim3A_23 : f32 to vector<16xf32>
    %swap3A_25 = arith.constant 64 : index
    %swap3A_26 = tpu.vector_load %arg7[%swap3A_25] {strides = array<i32>} : memref<80xf32, #tpu.memory_space<vmem>>, vector<16xf32>,
    %swap3A_27 = vector.shape_cast %swap3A_26 : vector<16xf32> to vector<16xf32>
    %swap3A_28 = vector.shape_cast %broadcast_in_dim3A_24 : vector<16xf32> to vector<16xf32>
    tpu.vector_store %arg7[%swap3A_25], %swap3A_28 {strides = array<i32>} : memref<80xf32, #tpu.memory_space<vmem>>, vector<16xf32>,
    %scan3A = arith.constant 0 : i32
    %scan3A_29 = arith.constant 0 : i32
    %scan3A_30 = arith.constant 448 : i32
    %scan3A_31 = arith.addi %scan3A_29, %scan3A_30 : i32
    %scan3A_32 = arith.constant 1 : i32
    scf.for %scan3A_45 = %scan3A_29 to %scan3A_31 step %scan3A_32  : i32 {
      %broadcast_in_dim3A_46 = arith.constant 0.000000e+00 : f32
      %broadcast_in_dim3A_47 = vector.broadcast %broadcast_in_dim3A_46 : f32 to vector<16xf32>
      %mul3A_48 = arith.constant 16 : i32
      %mul3A_49 = arith.muli %scan3A_45, %mul3A_48 : i32
      %swap3A_50 = arith.index_cast %mul3A_49 : i32 to index
      %swap3A_51 = tpu.vector_load %arg8[%swap3A_50] {strides = array<i32>} : memref<7168xf32, #tpu.memory_space<vmem>>, vector<16xf32>,
      %swap3A_52 = vector.shape_cast %swap3A_51 : vector<16xf32> to vector<16xf32>
      %swap3A_53 = vector.shape_cast %broadcast_in_dim3A_47 : vector<16xf32> to vector<16xf32>
      tpu.vector_store %arg8[%swap3A_50], %swap3A_53 {strides = array<i32>} : memref<7168xf32, #tpu.memory_space<vmem>>, vector<16xf32>,
    }
    %scan3A_33 = arith.constant 448 : i32
    %mul3A_34 = arith.constant 7168 : i32
    %mul3A_35 = arith.muli %arg1, %mul3A_34 : i32
    "tpu.region"() ({
      %run_scoped3A = tpu.sem_alloc : memref<!tpu.dma_semaphore, #tpu.memory_space<semaphore_mem>>
      %dma_start3A = tpu.memref_slice %arg9[%mul3A_35] : memref<114688xf32, #tpu.memory_space<vmem_shared>> -> memref<7168xf32, #tpu.memory_space<vmem_shared>>
      %dma_start3A_45 = tpu.memref_slice %arg9[%mul3A_35] : memref<114688xf32, #tpu.memory_space<vmem_shared>> -> memref<7168xf32, #tpu.memory_space<vmem_shared>>
      tpu.enqueue_dma source(%arg8 : memref<7168xf32, #tpu.memory_space<vmem>>) target(%dma_start3A_45 : memref<7168xf32, #tpu.memory_space<vmem_shared>>) target_semaphore(%run_scoped3A : memref<!tpu.dma_semaphore, #tpu.memory_space<semaphore_mem>>)
      %dma_wait3A = tpu.memref_slice %arg9[%mul3A_35] : memref<114688xf32, #tpu.memory_space<vmem_shared>> -> memref<7168xf32, #tpu.memory_space<vmem_shared>>
      %dma_wait3A_46 = tpu.memref_slice %arg9[%mul3A_35] : memref<114688xf32, #tpu.memory_space<vmem_shared>> -> memref<7168xf32, #tpu.memory_space<vmem_shared>>
      tpu.wait_dma2 semaphore(%run_scoped3A : memref<!tpu.dma_semaphore, #tpu.memory_space<semaphore_mem>>) src(%arg8 : memref<7168xf32, #tpu.memory_space<vmem>>) dst(%dma_wait3A_46 : memref<7168xf32, #tpu.memory_space<vmem_shared>>)
      tpu.yield
    }) : () -> ()
    %barrier3A = arith.constant 0 : index
    tpu.barrier barrier_id(%barrier3A)
    %mul3A_36 = arith.constant 160 : i32
    %mul3A_37 = arith.muli %add3A, %mul3A_36 : i32
    %lt3A = arith.constant 31 : i32
    %lt3A_38 = arith.cmpi slt, %add3A, %lt3A : i32
    %convert_element_type3A = arith.extui %lt3A_38 : i1 to i32
    %cond3A = arith.constant 0 : i32
    %cond3A_39 = arith.cmpi ne, %convert_element_type3A, %cond3A : i32
    scf.if %cond3A_39 {
      "tpu.region"() ({
        %run_scoped3A = tpu.sem_alloc : memref<!tpu.dma_semaphore, #tpu.memory_space<semaphore_mem>>
        %dma_start3A = tpu.memref_slice %arg2[%mul3A_37] : memref<5000xi32, #tpu.memory_space<hbm>> -> memref<80xi32, #tpu.memory_space<hbm>>
        %dma_start3A_47 = tpu.memref_slice %arg2[%mul3A_37] : memref<5000xi32, #tpu.memory_space<hbm>> -> memref<80xi32, #tpu.memory_space<hbm>>
        tpu.enqueue_dma source(%dma_start3A_47 : memref<80xi32, #tpu.memory_space<hbm>>) target(%arg4 : memref<80xi32, #tpu.memory_space<vmem>>) target_semaphore(%run_scoped3A : memref<!tpu.dma_semaphore, #tpu.memory_space<semaphore_mem>>)
        %dma_wait3A = tpu.memref_slice %arg2[%mul3A_37] : memref<5000xi32, #tpu.memory_space<hbm>> -> memref<80xi32, #tpu.memory_space<hbm>>
        %dma_wait3A_48 = tpu.memref_slice %arg2[%mul3A_37] : memref<5000xi32, #tpu.memory_space<hbm>> -> memref<80xi32, #tpu.memory_space<hbm>>
        tpu.wait_dma2 semaphore(%run_scoped3A : memref<!tpu.dma_semaphore, #tpu.memory_space<semaphore_mem>>) src(%dma_wait3A_48 : memref<80xi32, #tpu.memory_space<hbm>>) dst(%arg4 : memref<80xi32, #tpu.memory_space<vmem>>)
        tpu.yield
      }) : () -> ()
      %add3A_45 = arith.constant 80 : i32
      %add3A_46 = arith.addi %mul3A_37, %add3A_45 : i32
      "tpu.region"() ({
        %run_scoped3A = tpu.sem_alloc : memref<!tpu.dma_semaphore, #tpu.memory_space<semaphore_mem>>
        %dma_start3A = tpu.memref_slice %arg2[%add3A_46] : memref<5000xi32, #tpu.memory_space<hbm>> -> memref<80xi32, #tpu.memory_space<hbm>>
        %dma_start3A_47 = tpu.memref_slice %arg2[%add3A_46] : memref<5000xi32, #tpu.memory_space<hbm>> -> memref<80xi32, #tpu.memory_space<hbm>>
        tpu.enqueue_dma source(%dma_start3A_47 : memref<80xi32, #tpu.memory_space<hbm>>) target(%arg5 : memref<80xi32, #tpu.memory_space<vmem>>) target_semaphore(%run_scoped3A : memref<!tpu.dma_semaphore, #tpu.memory_space<semaphore_mem>>)
        %dma_wait3A = tpu.memref_slice %arg2[%add3A_46] : memref<5000xi32, #tpu.memory_space<hbm>> -> memref<80xi32, #tpu.memory_space<hbm>>
        %dma_wait3A_48 = tpu.memref_slice %arg2[%add3A_46] : memref<5000xi32, #tpu.memory_space<hbm>> -> memref<80xi32, #tpu.memory_space<hbm>>
        tpu.wait_dma2 semaphore(%run_scoped3A : memref<!tpu.dma_semaphore, #tpu.memory_space<semaphore_mem>>) src(%dma_wait3A_48 : memref<80xi32, #tpu.memory_space<hbm>>) dst(%arg5 : memref<80xi32, #tpu.memory_space<vmem>>)
        tpu.yield
      }) : () -> ()
      "tpu.region"() ({
        %run_scoped3A = tpu.sem_alloc : memref<!tpu.dma_semaphore, #tpu.memory_space<semaphore_mem>>
        %dma_start3A = arith.constant 0 : i32
        %dma_start3A_47 = tpu.memref_slice %arg9[%dma_start3A] : memref<114688xf32, #tpu.memory_space<vmem_shared>> -> memref<114688xf32, #tpu.memory_space<vmem_shared>>
        tpu.enqueue_indirect_dma source(%arg7 : memref<80xf32, #tpu.memory_space<vmem>>) target(%dma_start3A_47 : memref<114688xf32, #tpu.memory_space<vmem_shared>>) offsets(%arg4 : memref<80xi32, #tpu.memory_space<vmem>>) semaphore(%run_scoped3A : memref<!tpu.dma_semaphore, #tpu.memory_space<semaphore_mem>>) {add = true}
        %dma_wait3A = arith.constant 0 : i32
        %dma_wait3A_48 = tpu.memref_slice %arg9[%dma_wait3A] : memref<114688xf32, #tpu.memory_space<vmem_shared>> -> memref<114688xf32, #tpu.memory_space<vmem_shared>>
        tpu.wait_indirect_dma semaphore(%run_scoped3A : memref<!tpu.dma_semaphore, #tpu.memory_space<semaphore_mem>>) src(%arg7 : memref<80xf32, #tpu.memory_space<vmem>>) dst(%dma_wait3A_48 : memref<114688xf32, #tpu.memory_space<vmem_shared>>)
        tpu.yield
      }) : () -> ()
      "tpu.region"() ({
        %run_scoped3A = tpu.sem_alloc : memref<!tpu.dma_semaphore, #tpu.memory_space<semaphore_mem>>
        %dma_start3A = arith.constant 0 : i32
        %dma_start3A_47 = tpu.memref_slice %arg9[%dma_start3A] : memref<114688xf32, #tpu.memory_space<vmem_shared>> -> memref<114688xf32, #tpu.memory_space<vmem_shared>>
        tpu.enqueue_indirect_dma source(%arg7 : memref<80xf32, #tpu.memory_space<vmem>>) target(%dma_start3A_47 : memref<114688xf32, #tpu.memory_space<vmem_shared>>) offsets(%arg5 : memref<80xi32, #tpu.memory_space<vmem>>) semaphore(%run_scoped3A : memref<!tpu.dma_semaphore, #tpu.memory_space<semaphore_mem>>) {add = true}
        %dma_wait3A = arith.constant 0 : i32
        %dma_wait3A_48 = tpu.memref_slice %arg9[%dma_wait3A] : memref<114688xf32, #tpu.memory_space<vmem_shared>> -> memref<114688xf32, #tpu.memory_space<vmem_shared>>
        tpu.wait_indirect_dma semaphore(%run_scoped3A : memref<!tpu.dma_semaphore, #tpu.memory_space<semaphore_mem>>) src(%arg7 : memref<80xf32, #tpu.memory_space<vmem>>) dst(%dma_wait3A_48 : memref<114688xf32, #tpu.memory_space<vmem_shared>>)
        tpu.yield
      }) : () -> ()
    } else {
    }
    %eq3A = arith.constant 31 : i32
    %eq3A_40 = arith.cmpi eq, %add3A, %eq3A : i32
    %convert_element_type3A_41 = arith.extui %eq3A_40 : i1 to i32
    %cond3A_42 = arith.constant 0 : i32
    %cond3A_43 = arith.cmpi ne, %convert_element_type3A_41, %cond3A_42 : i32
    scf.if %cond3A_43 {
      "tpu.region"() ({
        %run_scoped3A = tpu.sem_alloc : memref<!tpu.dma_semaphore, #tpu.memory_space<semaphore_mem>>
        %dma_start3A = arith.constant 4960 : i32
        %dma_start3A_45 = tpu.memref_slice %arg2[%dma_start3A] : memref<5000xi32, #tpu.memory_space<hbm>> -> memref<40xi32, #tpu.memory_space<hbm>>
        %dma_start3A_46 = arith.constant 4960 : i32
        %dma_start3A_47 = tpu.memref_slice %arg2[%dma_start3A_46] : memref<5000xi32, #tpu.memory_space<hbm>> -> memref<40xi32, #tpu.memory_space<hbm>>
        tpu.enqueue_dma source(%dma_start3A_47 : memref<40xi32, #tpu.memory_space<hbm>>) target(%arg6 : memref<40xi32, #tpu.memory_space<vmem>>) target_semaphore(%run_scoped3A : memref<!tpu.dma_semaphore, #tpu.memory_space<semaphore_mem>>)
        %dma_wait3A = arith.constant 4960 : i32
        %dma_wait3A_48 = tpu.memref_slice %arg2[%dma_wait3A] : memref<5000xi32, #tpu.memory_space<hbm>> -> memref<40xi32, #tpu.memory_space<hbm>>
        %dma_wait3A_49 = arith.constant 4960 : i32
        %dma_wait3A_50 = tpu.memref_slice %arg2[%dma_wait3A_49] : memref<5000xi32, #tpu.memory_space<hbm>> -> memref<40xi32, #tpu.memory_space<hbm>>
        tpu.wait_dma2 semaphore(%run_scoped3A : memref<!tpu.dma_semaphore, #tpu.memory_space<semaphore_mem>>) src(%dma_wait3A_50 : memref<40xi32, #tpu.memory_space<hbm>>) dst(%arg6 : memref<40xi32, #tpu.memory_space<vmem>>)
        tpu.yield
      }) : () -> ()
      "tpu.region"() ({
        %run_scoped3A = tpu.sem_alloc : memref<!tpu.dma_semaphore, #tpu.memory_space<semaphore_mem>>
        %dma_start3A = arith.constant 0 : i32
        %dma_start3A_45 = tpu.memref_slice %arg7[%dma_start3A] : memref<80xf32, #tpu.memory_space<vmem>> -> memref<40xf32, #tpu.memory_space<vmem>>
        %dma_start3A_46 = arith.constant 0 : i32
        %dma_start3A_47 = tpu.memref_slice %arg9[%dma_start3A_46] : memref<114688xf32, #tpu.memory_space<vmem_shared>> -> memref<114688xf32, #tpu.memory_space<vmem_shared>>
        tpu.enqueue_indirect_dma source(%dma_start3A_45 : memref<40xf32, #tpu.memory_space<vmem>>) target(%dma_start3A_47 : memref<114688xf32, #tpu.memory_space<vmem_shared>>) offsets(%arg6 : memref<40xi32, #tpu.memory_space<vmem>>) semaphore(%run_scoped3A : memref<!tpu.dma_semaphore, #tpu.memory_space<semaphore_mem>>) {add = true}
        %dma_wait3A = arith.constant 0 : i32
        %dma_wait3A_48 = tpu.memref_slice %arg7[%dma_wait3A] : memref<80xf32, #tpu.memory_space<vmem>> -> memref<40xf32, #tpu.memory_space<vmem>>
        %dma_wait3A_49 = arith.constant 0 : i32
        %dma_wait3A_50 = tpu.memref_slice %arg9[%dma_wait3A_49] : memref<114688xf32, #tpu.memory_space<vmem_shared>> -> memref<114688xf32, #tpu.memory_space<vmem_shared>>
        tpu.wait_indirect_dma semaphore(%run_scoped3A : memref<!tpu.dma_semaphore, #tpu.memory_space<semaphore_mem>>) src(%dma_wait3A_48 : memref<40xf32, #tpu.memory_space<vmem>>) dst(%dma_wait3A_50 : memref<114688xf32, #tpu.memory_space<vmem_shared>>)
        tpu.yield
      }) : () -> ()
    } else {
    }
    %barrier3A_44 = arith.constant 0 : index
    tpu.barrier barrier_id(%barrier3A_44)
    "tpu.region"() ({
      %run_scoped3A = tpu.sem_alloc : memref<!tpu.dma_semaphore, #tpu.memory_space<semaphore_mem>>
      %dma_start3A = tpu.memref_slice %arg3[%arg0, %mul3A_35] : memref<2x114688xf32, #tpu.memory_space<hbm>> -> memref<1x7168xf32, #tpu.memory_space<hbm>>
      %dma_start3A_45 = tpu.memref_squeeze %dma_start3A : memref<1x7168xf32, #tpu.memory_space<hbm>> -> memref<7168xf32, #tpu.memory_space<hbm>>
      %dma_start3A_46 = tpu.memref_slice %arg9[%mul3A_35] : memref<114688xf32, #tpu.memory_space<vmem_shared>> -> memref<7168xf32, #tpu.memory_space<vmem_shared>>
      tpu.enqueue_dma source(%dma_start3A_46 : memref<7168xf32, #tpu.memory_space<vmem_shared>>) target(%dma_start3A_45 : memref<7168xf32, #tpu.memory_space<hbm>>) target_semaphore(%run_scoped3A : memref<!tpu.dma_semaphore, #tpu.memory_space<semaphore_mem>>)
      %dma_wait3A = tpu.memref_slice %arg3[%arg0, %mul3A_35] : memref<2x114688xf32, #tpu.memory_space<hbm>> -> memref<1x7168xf32, #tpu.memory_space<hbm>>
      %dma_wait3A_47 = tpu.memref_squeeze %dma_wait3A : memref<1x7168xf32, #tpu.memory_space<hbm>> -> memref<7168xf32, #tpu.memory_space<hbm>>
      %dma_wait3A_48 = tpu.memref_slice %arg9[%mul3A_35] : memref<114688xf32, #tpu.memory_space<vmem_shared>> -> memref<7168xf32, #tpu.memory_space<vmem_shared>>
      tpu.wait_dma2 semaphore(%run_scoped3A : memref<!tpu.dma_semaphore, #tpu.memory_space<semaphore_mem>>) src(%dma_wait3A_48 : memref<7168xf32, #tpu.memory_space<vmem_shared>>) dst(%dma_wait3A_47 : memref<7168xf32, #tpu.memory_space<hbm>>)
      tpu.yield
    }) : () -> ()
    return
  }
}

module attributes {stable_mosaic.version = 14 : i64} {
  func.func @_tc_body(%arg0: i32, %arg1: memref<32x512xbf16, #tpu.memory_space<vmem>>, %arg2: memref<32x16384xbf16, #tpu.memory_space<vmem>>, %arg3: memref<1x16384xbf16, #tpu.memory_space<vmem>>, %arg4: memref<2x16384xf32, #tpu.memory_space<vmem>>, %arg5: memref<32x16384xf32, #tpu.memory_space<vmem>>, %arg6: memref<32x128xf32, #tpu.memory_space<vmem>>) attributes {dimension_semantics = [#tpu.dimension_semantics<arbitrary>], iteration_bounds = array<i64: 7>, scalar_prefetch = 0 : i64, scratch_operands = 1 : i64, tpu.core_type = #tpu.core_type<tc>, window_params = [{pipeline_mode = #tpu.pipeline_mode<synchronous>, transform_indices = @transform_0, window_bounds = array<i64: 32, 512>}, {transform_indices = @transform_1, window_bounds = array<i64: 32, 16384>}, {transform_indices = @transform_2, window_bounds = array<i64: 1, 16384>}, {transform_indices = @transform_3, window_bounds = array<i64: 2, 16384>}, {transform_indices = @transform_4, window_bounds = array<i64: 32, 16384>}]} {
    %get3A = arith.constant 0 : index
    %get3A_0 = arith.constant 0 : index
    %get3A_1 = vector.load %arg4[%get3A, %get3A_0] : memref<2x16384xf32, #tpu.memory_space<vmem>>, vector<1x16384xf32>
    %get3A_2 = arith.constant 1 : index
    %get3A_3 = arith.constant 0 : index
    %get3A_4 = vector.load %arg4[%get3A_2, %get3A_3] : memref<2x16384xf32, #tpu.memory_space<vmem>>, vector<1x16384xf32>
    %add3A = arith.addf %get3A_1, %get3A_4 : vector<1x16384xf32>
    %mul3A = arith.constant 16384 : i32
    %mul3A_5 = arith.muli %arg0, %mul3A : i32
    %iota3A = tpu.iota {dimensions = array<i32: 1>} : vector<1x16384xi32>
    %add3A_6 = vector.broadcast %mul3A_5 : i32 to vector<1x16384xi32>
    %add3A_7 = arith.addi %add3A_6, %iota3A : vector<1x16384xi32>
    %lt3A = arith.constant 4 : i32
    %lt3A_8 = arith.cmpi slt, %arg0, %lt3A : i32
    %convert_element_type3A = arith.extui %lt3A_8 : i1 to i32
    %cond3A = arith.constant 0 : i32
    %cond3A_9 = arith.cmpi ne, %convert_element_type3A, %cond3A : i32
    scf.if %cond3A_9 {
      %get3A_14 = arith.constant 0 : index
      %get3A_15 = arith.constant 0 : index
      %get3A_16 = vector.load %arg2[%get3A_14, %get3A_15] : memref<32x16384xbf16, #tpu.memory_space<vmem>>, vector<32x16384xbf16>
      %get3A_17 = arith.constant 0 : index
      %get3A_18 = arith.constant 0 : index
      %get3A_19 = vector.load %arg3[%get3A_17, %get3A_18] : memref<1x16384xbf16, #tpu.memory_space<vmem>>, vector<1x16384xbf16>
      %broadcast_in_dim3A = vector.shape_cast %get3A_19 : vector<1x16384xbf16> to vector<1x16384xbf16>
      %broadcast_in_dim3A_20 = vector.broadcast %broadcast_in_dim3A : vector<1x16384xbf16> to vector<32x16384xbf16>
      %eq3A = arith.constant 0.000000e+00 : bf16
      %eq3A_21 = vector.broadcast %eq3A : bf16 to vector<32x16384xbf16>
      %eq3A_22 = arith.cmpf oeq, %broadcast_in_dim3A_20, %eq3A_21 : vector<32x16384xbf16>
      %jit3A = arith.constant 0.000000e+00 : bf16
      %broadcast_in_dim3A_23 = vector.broadcast %jit3A : bf16 to vector<32x16384xbf16>
      %select_n3A = arith.select %eq3A_22, %get3A_16, %broadcast_in_dim3A_23 : vector<32x16384xi1>, vector<32x16384xbf16>
      %eq3A_24 = arith.constant 1.000000e+00 : bf16
      %eq3A_25 = vector.broadcast %eq3A_24 : bf16 to vector<32x16384xbf16>
      %eq3A_26 = arith.cmpf oeq, %broadcast_in_dim3A_20, %eq3A_25 : vector<32x16384xbf16>
      %jit3A_27 = arith.constant 0.000000e+00 : bf16
      %broadcast_in_dim3A_28 = vector.broadcast %jit3A_27 : bf16 to vector<32x16384xbf16>
      %select_n3A_29 = arith.select %eq3A_26, %get3A_16, %broadcast_in_dim3A_28 : vector<32x16384xi1>, vector<32x16384xbf16>
      %eq3A_30 = arith.constant 2.000000e+00 : bf16
      %eq3A_31 = vector.broadcast %eq3A_30 : bf16 to vector<32x16384xbf16>
      %eq3A_32 = arith.cmpf oeq, %broadcast_in_dim3A_20, %eq3A_31 : vector<32x16384xbf16>
      %jit3A_33 = arith.constant 0.000000e+00 : bf16
      %broadcast_in_dim3A_34 = vector.broadcast %jit3A_33 : bf16 to vector<32x16384xbf16>
      %select_n3A_35 = arith.select %eq3A_32, %get3A_16, %broadcast_in_dim3A_34 : vector<32x16384xi1>, vector<32x16384xbf16>
      %eq3A_36 = arith.constant 3.000000e+00 : bf16
      %eq3A_37 = vector.broadcast %eq3A_36 : bf16 to vector<32x16384xbf16>
      %eq3A_38 = arith.cmpf oeq, %broadcast_in_dim3A_20, %eq3A_37 : vector<32x16384xbf16>
      %jit3A_39 = arith.constant 0.000000e+00 : bf16
      %broadcast_in_dim3A_40 = vector.broadcast %jit3A_39 : bf16 to vector<32x16384xbf16>
      %select_n3A_41 = arith.select %eq3A_38, %get3A_16, %broadcast_in_dim3A_40 : vector<32x16384xi1>, vector<32x16384xbf16>
      %eq3A_42 = arith.constant 4.000000e+00 : bf16
      %eq3A_43 = vector.broadcast %eq3A_42 : bf16 to vector<32x16384xbf16>
      %eq3A_44 = arith.cmpf oeq, %broadcast_in_dim3A_20, %eq3A_43 : vector<32x16384xbf16>
      %jit3A_45 = arith.constant 0.000000e+00 : bf16
      %broadcast_in_dim3A_46 = vector.broadcast %jit3A_45 : bf16 to vector<32x16384xbf16>
      %select_n3A_47 = arith.select %eq3A_44, %get3A_16, %broadcast_in_dim3A_46 : vector<32x16384xi1>, vector<32x16384xbf16>
      %eq3A_48 = arith.constant 5.000000e+00 : bf16
      %eq3A_49 = vector.broadcast %eq3A_48 : bf16 to vector<32x16384xbf16>
      %eq3A_50 = arith.cmpf oeq, %broadcast_in_dim3A_20, %eq3A_49 : vector<32x16384xbf16>
      %jit3A_51 = arith.constant 0.000000e+00 : bf16
      %broadcast_in_dim3A_52 = vector.broadcast %jit3A_51 : bf16 to vector<32x16384xbf16>
      %select_n3A_53 = arith.select %eq3A_50, %get3A_16, %broadcast_in_dim3A_52 : vector<32x16384xi1>, vector<32x16384xbf16>
      %eq3A_54 = arith.constant 6.000000e+00 : bf16
      %eq3A_55 = vector.broadcast %eq3A_54 : bf16 to vector<32x16384xbf16>
      %eq3A_56 = arith.cmpf oeq, %broadcast_in_dim3A_20, %eq3A_55 : vector<32x16384xbf16>
      %jit3A_57 = arith.constant 0.000000e+00 : bf16
      %broadcast_in_dim3A_58 = vector.broadcast %jit3A_57 : bf16 to vector<32x16384xbf16>
      %select_n3A_59 = arith.select %eq3A_56, %get3A_16, %broadcast_in_dim3A_58 : vector<32x16384xi1>, vector<32x16384xbf16>
      %eq3A_60 = arith.constant 7.000000e+00 : bf16
      %eq3A_61 = vector.broadcast %eq3A_60 : bf16 to vector<32x16384xbf16>
      %eq3A_62 = arith.cmpf oeq, %broadcast_in_dim3A_20, %eq3A_61 : vector<32x16384xbf16>
      %jit3A_63 = arith.constant 0.000000e+00 : bf16
      %broadcast_in_dim3A_64 = vector.broadcast %jit3A_63 : bf16 to vector<32x16384xbf16>
      %select_n3A_65 = arith.select %eq3A_62, %get3A_16, %broadcast_in_dim3A_64 : vector<32x16384xi1>, vector<32x16384xbf16>
      %eq3A_66 = arith.constant 8.000000e+00 : bf16
      %eq3A_67 = vector.broadcast %eq3A_66 : bf16 to vector<32x16384xbf16>
      %eq3A_68 = arith.cmpf oeq, %broadcast_in_dim3A_20, %eq3A_67 : vector<32x16384xbf16>
      %jit3A_69 = arith.constant 0.000000e+00 : bf16
      %broadcast_in_dim3A_70 = vector.broadcast %jit3A_69 : bf16 to vector<32x16384xbf16>
      %select_n3A_71 = arith.select %eq3A_68, %get3A_16, %broadcast_in_dim3A_70 : vector<32x16384xi1>, vector<32x16384xbf16>
      %eq3A_72 = arith.constant 9.000000e+00 : bf16
      %eq3A_73 = vector.broadcast %eq3A_72 : bf16 to vector<32x16384xbf16>
      %eq3A_74 = arith.cmpf oeq, %broadcast_in_dim3A_20, %eq3A_73 : vector<32x16384xbf16>
      %jit3A_75 = arith.constant 0.000000e+00 : bf16
      %broadcast_in_dim3A_76 = vector.broadcast %jit3A_75 : bf16 to vector<32x16384xbf16>
      %select_n3A_77 = arith.select %eq3A_74, %get3A_16, %broadcast_in_dim3A_76 : vector<32x16384xi1>, vector<32x16384xbf16>
      %eq3A_78 = arith.constant 1.000000e+01 : bf16
      %eq3A_79 = vector.broadcast %eq3A_78 : bf16 to vector<32x16384xbf16>
      %eq3A_80 = arith.cmpf oeq, %broadcast_in_dim3A_20, %eq3A_79 : vector<32x16384xbf16>
      %jit3A_81 = arith.constant 0.000000e+00 : bf16
      %broadcast_in_dim3A_82 = vector.broadcast %jit3A_81 : bf16 to vector<32x16384xbf16>
      %select_n3A_83 = arith.select %eq3A_80, %get3A_16, %broadcast_in_dim3A_82 : vector<32x16384xi1>, vector<32x16384xbf16>
      %eq3A_84 = arith.constant 1.100000e+01 : bf16
      %eq3A_85 = vector.broadcast %eq3A_84 : bf16 to vector<32x16384xbf16>
      %eq3A_86 = arith.cmpf oeq, %broadcast_in_dim3A_20, %eq3A_85 : vector<32x16384xbf16>
      %jit3A_87 = arith.constant 0.000000e+00 : bf16
      %broadcast_in_dim3A_88 = vector.broadcast %jit3A_87 : bf16 to vector<32x16384xbf16>
      %select_n3A_89 = arith.select %eq3A_86, %get3A_16, %broadcast_in_dim3A_88 : vector<32x16384xi1>, vector<32x16384xbf16>
      %eq3A_90 = arith.constant 1.200000e+01 : bf16
      %eq3A_91 = vector.broadcast %eq3A_90 : bf16 to vector<32x16384xbf16>
      %eq3A_92 = arith.cmpf oeq, %broadcast_in_dim3A_20, %eq3A_91 : vector<32x16384xbf16>
      %jit3A_93 = arith.constant 0.000000e+00 : bf16
      %broadcast_in_dim3A_94 = vector.broadcast %jit3A_93 : bf16 to vector<32x16384xbf16>
      %select_n3A_95 = arith.select %eq3A_92, %get3A_16, %broadcast_in_dim3A_94 : vector<32x16384xi1>, vector<32x16384xbf16>
      %eq3A_96 = arith.constant 1.300000e+01 : bf16
      %eq3A_97 = vector.broadcast %eq3A_96 : bf16 to vector<32x16384xbf16>
      %eq3A_98 = arith.cmpf oeq, %broadcast_in_dim3A_20, %eq3A_97 : vector<32x16384xbf16>
      %jit3A_99 = arith.constant 0.000000e+00 : bf16
      %broadcast_in_dim3A_100 = vector.broadcast %jit3A_99 : bf16 to vector<32x16384xbf16>
      %select_n3A_101 = arith.select %eq3A_98, %get3A_16, %broadcast_in_dim3A_100 : vector<32x16384xi1>, vector<32x16384xbf16>
      %eq3A_102 = arith.constant 1.400000e+01 : bf16
      %eq3A_103 = vector.broadcast %eq3A_102 : bf16 to vector<32x16384xbf16>
      %eq3A_104 = arith.cmpf oeq, %broadcast_in_dim3A_20, %eq3A_103 : vector<32x16384xbf16>
      %jit3A_105 = arith.constant 0.000000e+00 : bf16
      %broadcast_in_dim3A_106 = vector.broadcast %jit3A_105 : bf16 to vector<32x16384xbf16>
      %select_n3A_107 = arith.select %eq3A_104, %get3A_16, %broadcast_in_dim3A_106 : vector<32x16384xi1>, vector<32x16384xbf16>
      %eq3A_108 = arith.constant 1.500000e+01 : bf16
      %eq3A_109 = vector.broadcast %eq3A_108 : bf16 to vector<32x16384xbf16>
      %eq3A_110 = arith.cmpf oeq, %broadcast_in_dim3A_20, %eq3A_109 : vector<32x16384xbf16>
      %jit3A_111 = arith.constant 0.000000e+00 : bf16
      %broadcast_in_dim3A_112 = vector.broadcast %jit3A_111 : bf16 to vector<32x16384xbf16>
      %select_n3A_113 = arith.select %eq3A_110, %get3A_16, %broadcast_in_dim3A_112 : vector<32x16384xi1>, vector<32x16384xbf16>
      %concatenate3A = tpu.concatenate %select_n3A, %select_n3A_29, %select_n3A_35, %select_n3A_41, %select_n3A_47, %select_n3A_53, %select_n3A_59, %select_n3A_65, %select_n3A_71, %select_n3A_77, %select_n3A_83, %select_n3A_89, %select_n3A_95, %select_n3A_101, %select_n3A_107, %select_n3A_113 in 0 : vector<32x16384xbf16>, vector<32x16384xbf16>, vector<32x16384xbf16>, vector<32x16384xbf16>, vector<32x16384xbf16>, vector<32x16384xbf16>, vector<32x16384xbf16>, vector<32x16384xbf16>, vector<32x16384xbf16>, vector<32x16384xbf16>, vector<32x16384xbf16>, vector<32x16384xbf16>, vector<32x16384xbf16>, vector<32x16384xbf16>, vector<32x16384xbf16>, vector<32x16384xbf16> -> vector<512x16384xbf16>
      %get3A_114 = arith.constant 0 : index
      %get3A_115 = arith.constant 0 : index
      %get3A_116 = vector.load %arg1[%get3A_114, %get3A_115] : memref<32x512xbf16, #tpu.memory_space<vmem>>, vector<32x512xbf16>
      %dot_general3A = arith.constant dense<0.000000e+00> : vector<32x16384xf32>
      %dot_general3A_117 = tpu.matmul %get3A_116, %concatenate3A, %dot_general3A {dimension_numbers = #tpu.dot_dimension_numbers<[1], [0], [0], [1], [0, 0, 1, 1], [], []>, transpose_lhs_hint = false} : vector<32x512xbf16>, vector<512x16384xbf16>, vector<32x16384xf32> -> vector<32x16384xf32>
      %logistic3A = arith.negf %dot_general3A_117 : vector<32x16384xf32>
      %logistic3A_118 = math.exp %logistic3A : vector<32x16384xf32>
      %logistic3A_119 = arith.constant 1.000000e+00 : f32
      %logistic3A_120 = vector.broadcast %logistic3A_119 : f32 to vector<32x16384xf32>
      %logistic3A_121 = arith.addf %logistic3A_120, %logistic3A_118 : vector<32x16384xf32>
      %logistic3A_122 = arith.divf %logistic3A_120, %logistic3A_121 : vector<32x16384xf32>
      %get3A_123 = arith.constant 0 : index
      %get3A_124 = arith.constant 0 : index
      %get3A_125 = vector.load %arg6[%get3A_123, %get3A_124] : memref<32x128xf32, #tpu.memory_space<vmem>>, vector<32x128xf32>
      %slice3A = vector.extract_strided_slice %logistic3A_122 {offsets = [0, 16256], sizes = [32, 128], strides = [1, 1]} : vector<32x16384xf32> to vector<32x128xf32>
      %swap3A = arith.constant 0 : index
      %swap3A_126 = arith.constant 0 : index
      %swap3A_127 = vector.load %arg6[%swap3A, %swap3A_126] : memref<32x128xf32, #tpu.memory_space<vmem>>, vector<32x128xf32>
      tpu.vector_store %arg6[%swap3A, %swap3A_126], %slice3A {strides = array<i32>} : memref<32x128xf32, #tpu.memory_space<vmem>>, vector<32x128xf32>,
      %roll3A = arith.constant 2 : i32
      %roll3A_128 = tpu.dynamic_rotate %logistic3A_122 by %roll3A dim 1 : vector<32x16384xf32>, i32 -> vector<32x16384xf32>
      %roll3A_129 = arith.constant 2 : i32
      %roll3A_130 = tpu.dynamic_rotate %get3A_125 by %roll3A_129 dim 1 : vector<32x128xf32>, i32 -> vector<32x128xf32>
      %iota3A_131 = tpu.iota {dimensions = array<i32: 1>} : vector<1x128xi32>
      %lt3A_132 = arith.constant 2 : i32
      %lt3A_133 = vector.broadcast %lt3A_132 : i32 to vector<1x128xi32>
      %lt3A_134 = arith.cmpi slt, %iota3A_131, %lt3A_133 : vector<1x128xi32>
      %slice3A_135 = vector.extract_strided_slice %roll3A_128 {offsets = [0, 0], sizes = [32, 128], strides = [1, 1]} : vector<32x16384xf32> to vector<32x128xf32>
      %broadcast_in_dim3A_136 = vector.shape_cast %lt3A_134 : vector<1x128xi1> to vector<1x128xi1>
      %broadcast_in_dim3A_137 = vector.broadcast %broadcast_in_dim3A_136 : vector<1x128xi1> to vector<32x128xi1>
      %select_n3A_138 = arith.select %broadcast_in_dim3A_137, %roll3A_130, %slice3A_135 : vector<32x128xi1>, vector<32x128xf32>
      %slice3A_139 = vector.extract_strided_slice %roll3A_128 {offsets = [0, 128], sizes = [32, 16256], strides = [1, 1]} : vector<32x16384xf32> to vector<32x16256xf32>
      %concatenate3A_140 = tpu.concatenate %select_n3A_138, %slice3A_139 in 1 : vector<32x128xf32>, vector<32x16256xf32> -> vector<32x16384xf32>
      %ge3A_141 = arith.constant 2 : i32
      %ge3A_142 = vector.broadcast %ge3A_141 : i32 to vector<1x16384xi32>
      %ge3A_143 = arith.cmpi sge, %add3A_7, %ge3A_142 : vector<1x16384xi32>
      %lt3A_144 = arith.constant 50002 : i32
      %lt3A_145 = vector.broadcast %lt3A_144 : i32 to vector<1x16384xi32>
      %lt3A_146 = arith.cmpi slt, %add3A_7, %lt3A_145 : vector<1x16384xi32>
      %and3A = arith.andi %ge3A_143, %lt3A_146 : vector<1x16384xi1>
      %jit3A_147 = arith.constant 0.000000e+00 : f32
      %broadcast_in_dim3A_148 = vector.shape_cast %and3A : vector<1x16384xi1> to vector<1x16384xi1>
      %broadcast_in_dim3A_149 = vector.broadcast %broadcast_in_dim3A_148 : vector<1x16384xi1> to vector<32x16384xi1>
      %broadcast_in_dim3A_150 = vector.broadcast %jit3A_147 : f32 to vector<32x16384xf32>
      %select_n3A_151 = arith.select %broadcast_in_dim3A_149, %concatenate3A_140, %broadcast_in_dim3A_150 : vector<32x16384xi1>, vector<32x16384xf32>
      %add3A_152 = vector.broadcast %add3A : vector<1x16384xf32> to vector<32x16384xf32>
      %add3A_153 = arith.addf %select_n3A_151, %add3A_152 : vector<32x16384xf32>
      %eq3A_154 = arith.constant 1 : i32
      %eq3A_155 = vector.broadcast %eq3A_154 : i32 to vector<1x16384xi32>
      %eq3A_156 = arith.cmpi eq, %add3A_7, %eq3A_155 : vector<1x16384xi32>
      %jit3A_157 = arith.constant 1.000000e+00 : f32
      %broadcast_in_dim3A_158 = vector.shape_cast %eq3A_156 : vector<1x16384xi1> to vector<1x16384xi1>
      %broadcast_in_dim3A_159 = vector.broadcast %broadcast_in_dim3A_158 : vector<1x16384xi1> to vector<32x16384xi1>
      %broadcast_in_dim3A_160 = vector.broadcast %jit3A_157 : f32 to vector<32x16384xf32>
      %select_n3A_161 = arith.select %broadcast_in_dim3A_159, %broadcast_in_dim3A_160, %add3A_153 : vector<32x16384xi1>, vector<32x16384xf32>
      %swap3A_162 = arith.constant 0 : index
      %swap3A_163 = arith.constant 0 : index
      %swap3A_164 = vector.load %arg5[%swap3A_162, %swap3A_163] : memref<32x16384xf32, #tpu.memory_space<vmem>>, vector<32x16384xf32>
      tpu.vector_store %arg5[%swap3A_162, %swap3A_163], %select_n3A_161 {strides = array<i32>} : memref<32x16384xf32, #tpu.memory_space<vmem>>, vector<32x16384xf32>,
    } else {
    }
    %ge3A = arith.constant 4 : i32
    %ge3A_10 = arith.cmpi sge, %arg0, %ge3A : i32
    %convert_element_type3A_11 = arith.extui %ge3A_10 : i1 to i32
    %cond3A_12 = arith.constant 0 : i32
    %cond3A_13 = arith.cmpi ne, %convert_element_type3A_11, %cond3A_12 : i32
    scf.if %cond3A_13 {
      %broadcast_in_dim3A = vector.shape_cast %add3A : vector<1x16384xf32> to vector<1x16384xf32>
      %broadcast_in_dim3A_14 = vector.broadcast %broadcast_in_dim3A : vector<1x16384xf32> to vector<32x16384xf32>
      %swap3A = arith.constant 0 : index
      %swap3A_15 = arith.constant 0 : index
      %swap3A_16 = vector.load %arg5[%swap3A, %swap3A_15] : memref<32x16384xf32, #tpu.memory_space<vmem>>, vector<32x16384xf32>
      tpu.vector_store %arg5[%swap3A, %swap3A_15], %broadcast_in_dim3A_14 {strides = array<i32>} : memref<32x16384xf32, #tpu.memory_space<vmem>>, vector<32x16384xf32>,
    } else {
    }
    return
  }
  func.func @transform_0(%arg0: i32) -> (i32, i32) {
    %c0_i32 = arith.constant 0 : i32
    %c0_i32_0 = arith.constant 0 : i32
    %c0_i32_1 = arith.constant 0 : i32
    return %c0_i32, %c0_i32_0 : i32, i32
  }
  func.func @transform_1(%arg0: i32) -> (i32, i32) {
    %min3A = arith.constant 3 : i32
    %min3A_0 = arith.minsi %arg0, %min3A : i32
    %c0_i32 = arith.constant 0 : i32
    %c0_i32_1 = arith.constant 0 : i32
    return %c0_i32, %min3A_0 : i32, i32
  }
  func.func @transform_2(%arg0: i32) -> (i32, i32) {
    %min3A = arith.constant 3 : i32
    %min3A_0 = arith.minsi %arg0, %min3A : i32
    %c0_i32 = arith.constant 0 : i32
    %c0_i32_1 = arith.constant 0 : i32
    return %c0_i32, %min3A_0 : i32, i32
  }
  func.func @transform_3(%arg0: i32) -> (i32, i32) {
    %c0_i32 = arith.constant 0 : i32
    %c0_i32_0 = arith.constant 0 : i32
    return %c0_i32, %arg0 : i32, i32
  }
  func.func @transform_4(%arg0: i32) -> (i32, i32) {
    %c0_i32 = arith.constant 0 : i32
    %c0_i32_0 = arith.constant 0 : i32
    return %c0_i32, %arg0 : i32, i32
  }
}

</mosaic_0001>

<sc_bundles>
// kernel: kernel.4.cloned.1.call-start
scs
__scs_entry_jumppad:
0x0: {  	(pc) =	sbr.rel $0x88, $3  }
0x1: {  	(tag) =	ssettag $0x0;
	lr =	simm.s32 $0x1  }
0x2: {  	[smem:$0x3F9D] =	sst lr;
	_ =	strace $0xD0000000  }
0x3: {  	_ = 	snop  }
0x4: {  	_ = 	snop  }
0x5: {  	_ = 	snop  }
0x6: {  	_ = 	snop  }
0x7: {  	_ = 	snop  }
__scs_overlays_trampoline_lowered:
0x8: {  	[smem:$0x3FAC] =	sst s0  }
0x9: {  	[smem:$0x3FAD] =	sst s1  }
0xa: {  	[smem:$0x3FAE] =	sst s2  }
0xb: {  	[smem:$0x3FAF] =	sst s3  }
0xc: {  	[smem:$0x3FB0] =	sst s4  }
0xd: {  	[smem:$0x3FB1] =	sst s5  }
0xe: {  	[smem:$0x3FB2] =	sst s6  }
0xf: {  	[smem:$0x3FB3] =	sst s7  }
0x10: {  	[smem:$0x3FB4] =	sst s8  }
0x11: {  	[smem:$0x3FB5] =	sst s9;
	s0 =	simm.s32 @!p0 $0x0  }
0x12: {  	s1 =	sld [smem:$0x3F9B];
	s0 =	simm.s32 @p0 $0x1  }
0x13: {  	[smem:$0x3FB6] =	sst s0;
	s0 =	simm.s32 @!p1 $0x0  }
0x14: {  	s2 =	sld [smem:$0x3F9A];
	s0 =	simm.s32 @p1 $0x1  }
0x15: {  	[smem:$0x3FB7] =	sst s0;
	s0 =	simm.s32 @!p2 $0x0  }
0x16: {  	s3 =	sld [smem:$0x3FDB];
	s0 =	simm.s32 @p2 $0x1  }
0x17: {  	s4 =	simm.s32 $0x1BF5;
	[smem:$0x3FB9] =	sst s0  }
0x18: {  	s0 =	sld [smem:$0x3F9C];
	_ =	swait.ge [sflag:s4], $0x0  }
0x19: {  	s7 =	sld [smem:$0x3F9D]  }
0x1a: {  	s8 =	sadd.s32 $0xFFFFE003, lr  }
0x1b: {  	s9 =	sadd.s32 $0xFFFFFEF7, lr;
	s5 =	simm.s32 $0xFFFFFFFF;
	p2 =	slt.u32 s8, $0xFFFFF086  }
0x1c: {  	p1 =	slt.u32 s9, $0xF7A;
	s5 =	simm.s32 @!p2 $0x0  }
0x1d: {  	s5 =	simm.s32 @p1 $0x1;
	p0 =	seq.s32 s7, s2  }
0x1e: {  	s7 =	smul.u32 @!p0 $0xF7A, s2;
	p2 =	seq.s32 @!p0 s5, $0x0  }
0x1f: {  	s9 =	smul.u32 $0xF7A, s1;
	s8 =	simm.s32 @!p0 $0x1BF5;
	p2 =	por !p2, p0  }
0x20: {  	[sflag:s8] =	ssyncset.s32 @!p0 $0xFFFFF086;
	s6 =	sadd.s32 @!p0 s3, s7;
	s7 =	simm.s32 @!p0 $0x108  }
0x21: {  	s3 =	sadd.s32 s3, s9;
	s6 =	sadd.s32 @!p0 $0x88, s6;
	s7 =	simm.s32 @p2 $0x1082  }
0x22: {  	[simem:s7], [sflag:s8] =	dma.local @!p0 [hbm:s6], $0xF7A  }
0x23: {  	s9 =	sor.u32 $0xD0000000, s2;
	s6 =	simm.s32 $0x108;
	_ =	swait.ge @!p0 [sflag:s8], $0x0  }
0x24: {  	s3 =	sadd.s32 $0x88, s3;
	s6 =	simm.s32 @!p1 $0x1082;
	[sflag:s4] =	ssyncset.s32 $0xFFFFF086  }
0x25: {  	[simem:s6], [sflag:s4] =	dma.local [hbm:s3], $0xF7A  }
0x26: {  	[smem:$0x3F9D] =	sst s1;
	(tag) =	ssettag s2;
	_ =	strace s9  }
0x27: {  	s1 =	sld [smem:$0x3FAD]  }
0x28: {  	s2 =	sld [smem:$0x3FAE]  }
0x29: {  	s4 =	sld [smem:$0x3FB0]  }
0x2a: {  	p0 =	seq.s32 s5, $0x0;
	s5 =	sld [smem:$0x3FB1]  }
0x2b: {  	s6 =	sld [smem:$0x3FB2]  }
0x2c: {  	s7 =	sld [smem:$0x3FB3]  }
0x2d: {  	s3 =	simm.s32 $0x108;
	s8 =	sld [smem:$0x3FB4]  }
0x2e: {  	s3 =	simm.s32 @!p0 $0x1082;
	s9 =	sld [smem:$0x3FB5]  }
0x2f: {  	lr =	sadd.s32 s0, s3;
	s0 =	sld [smem:$0x3FAC]  }
0x30: {  	s3 =	sld [smem:$0x3FAF]  }
0x31: {  	[smem:$0x3FB8] =	sst s10  }
0x32: {  	s10 =	sld [smem:$0x3FB6];
	_ =	sdelay $0x3  }
0x33: {  	p0 =	seq.s32 s10, $0x1;
	s10 =	sld [smem:$0x3FB8];
	_ =	sdelay $0x3  }
0x34: {  	[smem:$0x3FB8] =	sst s10  }
0x35: {  	s10 =	sld [smem:$0x3FB7];
	_ =	sdelay $0x3  }
0x36: {  	p1 =	seq.s32 s10, $0x1;
	s10 =	sld [smem:$0x3FB8];
	_ =	sdelay $0x3  }
0x37: {  	[smem:$0x3FB8] =	sst s10  }
0x38: {  	s10 =	sld [smem:$0x3FB9]  }
0x39: {  	_ = 	snop;
	(pc) =	sbr.ind lr, $3  }
0x3a: {  	_ = 	snop  }
0x3b: {  	_ = 	snop  }
0x3c: {  	p2 =	seq.s32 s10, $0x1;
	s10 =	sld [smem:$0x3FB8]  }
0x3d: {  	_ =	shalt  }
0x3e: {  	_ =	shalt  }
0x3f: {  	_ =	shalt  }
0x40: {  	_ =	shalt  }
0x41: {  	_ =	shalt  }
0x42: {  	_ =	shalt  }
0x43: {  	_ =	shalt  }
0x44: {  	_ =	shalt  }
0x45: {  	_ =	shalt  }
0x46: {  	_ =	shalt  }
0x47: {  	_ =	shalt  }
0x48: {  	_ =	shalt  }
0x49: {  	_ =	shalt  }
0x4a: {  	_ =	shalt  }
0x4b: {  	_ =	shalt  }
0x4c: {  	_ =	shalt  }
0x4d: {  	_ =	shalt  }
0x4e: {  	_ =	shalt  }
0x4f: {  	_ =	shalt  }
0x50: {  	_ =	shalt  }
0x51: {  	_ =	shalt  }
0x52: {  	_ =	shalt  }
0x53: {  	_ =	shalt  }
0x54: {  	_ =	shalt  }
0x55: {  	_ =	shalt  }
0x56: {  	_ =	shalt  }
0x57: {  	_ =	shalt  }
0x58: {  	_ =	shalt  }
0x59: {  	_ =	shalt  }
0x5a: {  	_ =	shalt  }
0x5b: {  	_ =	shalt  }
0x5c: {  	_ =	shalt  }
0x5d: {  	_ =	shalt  }
0x5e: {  	_ =	shalt  }
0x5f: {  	_ =	shalt  }
0x60: {  	_ =	shalt  }
0x61: {  	_ =	shalt  }
0x62: {  	_ =	shalt  }
0x63: {  	_ =	shalt  }
0x64: {  	_ =	shalt  }
0x65: {  	_ =	shalt  }
0x66: {  	_ =	shalt  }
0x67: {  	_ =	shalt  }
0x68: {  	_ =	shalt  }
0x69: {  	_ =	shalt  }
0x6a: {  	_ =	shalt  }
0x6b: {  	_ =	shalt  }
0x6c: {  	_ =	shalt  }
0x6d: {  	_ =	shalt  }
0x6e: {  	_ =	shalt  }
0x6f: {  	_ =	shalt  }
0x70: {  	_ =	shalt  }
0x71: {  	_ =	shalt  }
0x72: {  	_ =	shalt  }
0x73: {  	_ =	shalt  }
0x74: {  	_ =	shalt  }
0x75: {  	_ =	shalt  }
0x76: {  	_ =	shalt  }
0x77: {  	_ =	shalt  }
0x78: {  	_ =	shalt  }
0x79: {  	_ =	shalt  }
0x7a: {  	_ =	shalt  }
0x7b: {  	_ =	shalt  }
0x7c: {  	_ =	shalt  }
0x7d: {  	_ =	shalt  }
0x7e: {  	_ =	shalt  }
0x7f: {  	_ =	shalt  }
0x80: {  	_ =	shalt  }
0x81: {  	_ =	shalt  }
0x82: {  	_ =	shalt  }
0x83: {  	_ =	shalt  }
0x84: {  	_ =	shalt  }
0x85: {  	_ =	shalt  }
0x86: {  	_ =	shalt  }
0x87: {  	_ =	shalt  }
.Lfunc_end0:
.L_simem_size_0:
called_computation_lowered:
.L_overlay_start_0:
0x88: {  	s2 =	sld [smem:$0x3FD9]  }
0x89: {  	s3 =	sld [smem:$0x3FFE];
	_ =	sdelay $0x1  }
0x8a: {  	s1 =	srdreg.scid  }
0x8b: {  	s0 =	sand.u32 $0x1, s1  }
0x8c: {  	s18 =	sshll.u32 s0, $0xA;
	s2 =	sadd.s32 s3, s2  }
0x8d: {  	s2 =	sadd.s32 s2, s18  }
0x8e: {  	[smem:$0x3FC4] =	sst s2  }
0x8f: {  	_ = 	snop  }
0x90: {  	s2 =	sld [smem:$0x3FC6]  }
0x91: {  	s19 =	sld [smem:$0x3FD0];
	(tm) =	ssettm $0x1  }
0x92: {  	s4 =	sld [smem:$0x3FFB];
	_ =	sdelay $0x3  }
0x93: {  	_ =	strace s4  }
0x94: {  	s4 =	sld [smem:$0x3FFC];
	_ =	sdelay $0x3  }
0x95: {  	_ =	strace s4  }
0x96: {  	s4 =	sld [smem:$0x3FFD];
	_ =	sdelay $0x3  }
0x97: {  	_ =	strace s4  }
0x98: {  	_ =	strace $0x8FFFFFFF  }
0x99: {  	s20 =	sld [smem:$0x3FDB];
	_ =	sdelay $0x1  }
0x9a: {  	s5 =	simm.s32 $_scs_section_size  }
0x9b: {  	s6 =	simm.s32 $_size__tile_overlayer_lowered;
	s7 =	simm.s32 $_tile_overlayer_lowered  }
0x9c: {  	s23 =	simm.s32 $0x1BFF;
	s22 =	sshll.u32 s7, $0x1;
	s4 =	sadd.s32 s5, s20  }
0x9d: {  	s8 =	simm.s32 $0x0;
	s21 =	sshll.u32 s6, $0x1;
	s6 =	sadd.s32 s22, s4  }
0x9e: {  	[timem:s8], [sflag:s23] =	dma.local [hbm:s6], s21  }
0x9f: {  	_ =	swait.ge [sflag:s23], s21  }
0xa0: {  	s5 =	ssub.s32 $0x0, s21;
	[sflag:s23] =	ssyncset.done $0x0  }
0xa1: {  	[sflag:s23] =	ssyncadd.s32 s5;
	_ =	sdelay $0x1  }
0xa2: {  	s24 =	simm.s32 $0x1B8B  }
0xa3: {  	_ =	swait.ge [sflag:s24], $0x1  }
0xa4: {  	[sflag:s24] =	ssyncset.done $0x0  }
0xa5: {  	s25 =	simm.s32 $0x1B8E;
	[sflag:s24] =	ssyncadd.s32 $0xFFFFFFFF  }
0xa6: {  	s26 =	simm.s32 $execute0_lowered;
	[smem:$0x3FD2] =	sst s25  }
0xa7: {  	s5 =	sshll.u32 s26, $0x1;
	_ =	strace $0x80000046;
	[dreg:$0x1] =	wrdreg $0xFFFFFFFF  }
0xa8: {  	s28 =	simm.s32 $_size_execute0_lowered;
	s4 =	sadd.s32 s4, s5;
	[dreg:$0x0] =	wrdreg $0x0  }
0xa9: {  	s5 =	sshll.u32 s28, $0x1;
	[dreg:$0x2] =	wrdreg s4  }
0xaa: {  	[dreg:$0x3] =	wrdreg s5  }
0xab: {  	[dreg:$0x4] =	wrdreg $0xC0  }
0xac: {  	_ =	task [dreg:s8], $0x5FFFF  }
0xad: {  	[dreg:$0x1] =	wrdreg $0xFFFFFFFF  }
0xae: {  	[dreg:$0x0] =	wrdreg $0x60  }
0xaf: {  	[dreg:$0x2] =	wrdreg s2  }
0xb0: {  	[dreg:$0x3] =	wrdreg s19  }
0xb1: {  	[dreg:$0x4] =	wrdreg $0x1E000  }
0xb2: {  	[dreg:$0x5] =	wrdreg $0x9  }
0xb3: {  	_ =	task.clear_ibuf [dreg:s8], $0x6FFFF;
	_ =	strace $0x90000046  }
0xb4: {  	s29 =	simm.s32 $0x9;
	_ =	strace $0x80000048  }
0xb5: {  	_ =	swait.ge [sflag:s29], $0x1  }
0xb6: {  	[sflag:s29] =	ssyncadd.s32 $0xFFFFFFFF  }
0xb7: {  	_ =	strace $0x90000048  }
0xb8: {  	_ =	sfence  }
0xb9: {  	s30 =	sld [smem:$0x0];
	_ =	sdelay $0x2  }
0xba: {  	s31 =	sshll.u32 s1, $0xD;
	s1 =	sshrl.u32 s1, $0x2  }
0xbb: {  	s3 =	sand.u32 $0x4000, s31;
	s1 =	sadd.s32 s1, s30  }
0xbc: {  	s0 =	sor.u32 s3, s0;
	s1 =	sshll.u32 s1, $0x11  }
0xbd: {  	s0 =	sor.u32 s1, s0  }
0xbe: {  	s0 =	sadd.s32 $0x8F2B, s0  }
0xbf: {  	[sflag:s0] =	ssyncadd.remote.s32 $0x1  }
0xc0: {  	_ =	sfence.sel $0xFFFF  }
0xc1: {  	[dreg:$0x0] =	wrdreg $0xFFFFFFFF;
	(pc) =	sbr.abs _section_cstart, $3  }
0xc2: {  	[dreg:$0x1] =	wrdreg $0xFFFFFFFF  }
0xc3: {  	_ =	task.clear_ibuf [dreg:s8], $0x2FFFF;
	_ =	strace $0x9FFFFFFF  }
0xc4: {  	(tm) =	ssettm $0x7FFFFFFF  }
0xc5: {  	_ =	shalt  }
tec
execute0_lowered:
.L_overlay_start_1:
0x0: {  	(tag) =	ssettag $0x1  }
0x1: {  	s7 =	rddreg [dreg:$0x0]  }
0x2: {  	s8 =	rddreg [dreg:$0x1]  }
0x3: {  	s0 =	srdreg.scid;
	s2 =	rddreg [dreg:$0x2]  }
0x4: {  	s1 =	stileid.u32;
	s14 =	simm.s32 $0x20;
	s15 =	simm.s32 $0x10  }
0x5: {  	s4 =	sand.u32 $0x1, s0;
	s0 =	rddreg [dreg:$0x3];
	s5 =	smul.u32 $0x7000, s1  }
0x6: {  	s12 =	smul.u32 $0x3800, s1;
	s31 =	sshll.u32 s1, $0x6;
	s3 =	sshll.u32 s4, $0x4  }
0x7: {  	s6 =	ssub.s32 $0x2, s4;
	s4 =	sshll.u32 s4, $0x7;
	s10 =	sor.u32 s1, s3  }
0x8: {  	s3 =	simm.s32 $0x0;
	s11 =	sshrl.u32 s6, $0x1;
	s5 =	sshrl.u32 s5, $0x2  }
0x9: {  	s30 =	sor.u32 s4, s12;
	s12 =	sor.u32 $0x1C01, s31;
	s9 =	smul.u32 $0xA0, s10  }
0xa: {  	[smem:$0x7FF] =	sst s3;
	s11 =	ssub.s32 s6, s11;
	s4 =	sadd.s32 s5, s2  }
0xb: {  	p0 =	seq.s32 s10, $0x1F;
	s10 =	simm.s32 $0x200;
	_ =	strace $0x80000047  }
0xc: {  	s13 =	sshrl.u32 s4, $0x3;
	s29 =	sshrl.u32 s9, $0x3;
	s9 =	sshrl.u32 s30, $0x3  }
0xd: {  	s5 =	sadd.s32 s7, s29;
	s7 =	sadd.s32 $0x26C, s7;
	s8 =	sadd.s32 s8, s9  }
0xe: {  	v0 =	vimm.f32 $1.000000000e+00;
	v1 =	vimm.f32 $0.0e+00;
	s9 =	smax.u32 s11, $0x1;
	s11 =	simm.s32 $0x1;
	s6 =	sadd.s32 $0xA, s5  }
.LBB2_1:
0xf: {  	[tilespmem:$0x180] =	vst v0  }
0x10: {  	[tilespmem:$0x190] =	vst v0  }
0x11: {  	[tilespmem:$0x1A0] =	vst v0  }
0x12: {  	[tilespmem:$0x1B0] =	vst v0  }
0x13: {  	[tilespmem:$0x1C0] =	vst v0;
	s16 =	simm.s32 $0x40;
	s17 =	simm.s32 $0x0  }
.LBB2_2:
0x14: {  	p1 =	sne.s32 s16, $0x6FC0;
	[tilespmem:s17+$0x200] =	vst v1;
	s17 =	smov.u32 s16;
	s16 =	sadd.s32 $0x40, s16  }
.Ltmp0:
0x15: {  	(pc) =	sbr.rel @p1 .LBB2_2-.Ltmp0, $2  }
0x16: {  	_ =	sdelay $0x2  }
0x17: {  	s17 =	sshra.s32 s17, $0x2  }
0x18: {  	[tilespmem:s17+$0x200] =	vst v1  }
0x19: {  	[spmem:s4] =	stream.linear.scatter [tilespmem:s10], [sflag:$0x1], $0x1C00, $0x38;
	[tilespmem:$0x3A00] =	vst v63  }
0x1a: {  	_ =	swait.ge [sflag:s11], $0x1C00  }
0x1b: {  	[sflag:s11] =	ssyncset.done $0x0  }
0x1c: {  	[sflag:s11] =	ssyncadd.s32 $0xFFFFE400  }
0x1d: {  	s16 =	simm.s32 @p0 $0x0;
	s17 =	simm.s32 @p0 $0x100;
	[bflag:$0x0] =	sbarrier.arrive $0xFFFF  }
0x1e: {  	[tilespmem:s17], [sflag:$0x1] =	stream.linear.gather @p0 [hbm4b:s7+s16], $0x28, $0x38;
	[tilespmem:$0x3A00] =	vst v63  }
0x1f: {  	s16 =	simm.s32 @p0 $0x1  }
0x20: {  	_ =	swait.ge @p0 [sflag:s16], $0x28  }
0x21: {  	[sflag:s16] =	ssyncset.done @p0 $0x0  }
0x22: {  	s18 =	simm.s32 @p0 $0x28;
	s19 =	simm.s32 @p0 $0x180;
	[sflag:s16] =	ssyncadd.s32 @p0 $0xFFFFFFD8  }
0x23: {  	[spmem:s2] =	stream.indirect.scatter.add.f32 @p0 [tilespmem:s19], [sflag:$0x1], $0x1, s17, s18, $0xb8;
	[tilespmem:$0x3A00] =	vst v63  }
0x24: {  	_ =	swait.ge @p0 [sflag:s16], $0x28  }
0x25: {  	[sflag:s16] =	ssyncset.done @p0 $0x0  }
0x26: {  	s17 =	simm.s32 @!p0 $0x1;
	[sflag:s16] =	ssyncadd.s32 @p0 $0xFFFFFFD8;
	s16 =	simm.s32 @!p0 $0x0  }
0x27: {  	[tilespmem:s16], [sflag:$0x1] =	stream.linear.gather @!p0 [hbm4b:s5+s16], $0x50, $0x38;
	[tilespmem:$0x3A00] =	vst v63  }
0x28: {  	_ =	swait.ge @!p0 [sflag:s17], $0x50  }
0x29: {  	[sflag:s17] =	ssyncset.done @!p0 $0x0  }
0x2a: {  	s18 =	simm.s32 @!p0 $0x80;
	[sflag:s17] =	ssyncadd.s32 @!p0 $0xFFFFFFB0  }
0x2b: {  	[tilespmem:s18], [sflag:$0x1] =	stream.linear.gather @!p0 [hbm4b:s6+s16], $0x50, $0x38;
	[tilespmem:$0x3A00] =	vst v63  }
0x2c: {  	_ =	swait.ge @!p0 [sflag:s17], $0x50  }
0x2d: {  	[sflag:s17] =	ssyncset.done @!p0 $0x0  }
0x2e: {  	s20 =	simm.s32 @!p0 $0x180;
	s19 =	simm.s32 @!p0 $0x50;
	[sflag:s17] =	ssyncadd.s32 @!p0 $0xFFFFFFB0  }
0x2f: {  	[spmem:s2] =	stream.indirect.scatter.add.f32 @!p0 [tilespmem:s20], [sflag:$0x1], $0x1, s16, s19, $0xb8;
	[tilespmem:$0x3A00] =	vst v63  }
0x30: {  	_ =	swait.ge @!p0 [sflag:s17], $0x50  }
0x31: {  	[sflag:s17] =	ssyncset.done @!p0 $0x0  }
0x32: {  	[sflag:s17] =	ssyncadd.s32 @!p0 $0xFFFFFFB0  }
0x33: {  	[spmem:s2] =	stream.indirect.scatter.add.f32 @!p0 [tilespmem:s20], [sflag:$0x1], $0x1, s18, s19, $0xb8;
	[tilespmem:$0x3A00] =	vst v63  }
0x34: {  	_ =	swait.ge @!p0 [sflag:s17], $0x50  }
0x35: {  	s3 =	sadd.s32 $0x1, s3;
	[sflag:s17] =	ssyncset.done @!p0 $0x0  }
0x36: {  	p1 =	sne.s32 s3, s9;
	[sflag:s17] =	ssyncadd.s32 @!p0 $0xFFFFFFB0  }
.Ltmp1:
0x37: {  	[bflag:$0x0] =	sbarrier.arrive $0xFFFF;
	(pc) =	sbr.rel @p1 .LBB2_1-.Ltmp1, $4  }
0x38: {  	[hbm:s8@s14], [sflag:s12] =	dma.strided [spmem:s13@s15], $0x380, s11, $0x10   }
0x39: {  	_ =	swait.ge [sflag:s11], $0x380  }
0x3a: {  	[sflag:s11] =	ssyncset.done $0x0  }
0x3b: {  	[sflag:s11] =	ssyncadd.s32 $0xFFFFFC80  }
0x3c: {  	_ =	sfence.sel $0x180000  }
0x3d: {  	[bflag:$0x0] =	sbarrier.arrive $0xFFFF  }
0x3e: {  	p0 =	sne.s32 s1, $0x0;
	_ =	strace $0x90000047  }
0x3f: {  	s0 =	sadd.s32 @!p0 $0x100000, s0;
	[bflag:$0x2] =	sbarrier.arrive $0xFFFF  }
0x40: {  	[sflag:s0] =	ssyncadd.tile.s32 @!p0 $0x1;
	_ =	shalt  }
.Lfunc_end2:
_tile_overlayer_lowered:
.L_overlay_start_2:
0x41: {  	(tag) =	ssettag $0x2  }
0x42: {  	s0 =	rddreg [dreg:$0x0];
	s2 =	stileid.u32  }
0x43: {  	s1 =	rddreg [dreg:$0x1];
	p0 =	sne.s32 s2, $0x0  }
0x44: {  	s3 =	rddreg [dreg:$0x2];
	[bflag:$0x3] =	sbarrier.arrive $0xFFFF;
	s2 =	simm.s32 @!p0 $0x1C01  }
0x45: {  	[timem:s3], [sflag:s2] =	dma.local @!p0 [hbm:s0], s1  }
0x46: {  	s0 =	simm.s32 @!p0 $0x1  }
0x47: {  	_ =	swait.ge @!p0 [sflag:s0], s1  }
0x48: {  	s1 =	ssub.s32 @!p0 $0x0, s1;
	[sflag:s0] =	ssyncset.done @!p0 $0x0  }
0x49: {  	[sflag:s0] =	ssyncadd.s32 @!p0 s1  }
0x4a: {  	[bflag:$0x3] =	sbarrier.arrive $0xFFFF  }
0x4b: {  	_ =	shalt  }

</sc_bundles>
